<compile_context>
chip_gen: v7x
topology: tpu7x:2x2x1
jax: 0.10.2.dev20260603
libtpu: 0.0.44.dev20260713+nightly
codegen_flags: <defaults>
</compile_context>

<pallas_src>
import jax
import jax.numpy as jnp
from jax import lax
from jax.experimental import pallas as pl
from jax.experimental.pallas import tpu as pltpu
from jax.experimental.pallas import tpu_sc as plsc

_N = 10000
_E = 320000
_F = 128
_FH = 64
_OUT = 8

_NC = 2
_NS = 16
_CH = 125
_NCHUNK = _E // _CH
_CPT = _NCHUNK // _NS
_NBUF = 5
_N_PAD = 10240
_STRIPE = _N_PAD // _NS
_BLK = 1000


def _mesh():
    return plsc.VectorSubcoreMesh(core_axis_name="c", subcore_axis_name="s")


_SC_PARAMS = pltpu.CompilerParams(use_tc_tiling_on_sc=False)



def _deg_body(dst_hbm, zeros1_hbm, out_hbm, didx, ones_v, acc1, sem_i, sem_s):
    c = lax.axis_index("c")
    s = lax.axis_index("s")
    wid = c * _NS + s
    cpw = _CPT // 2
    ci = pltpu.async_copy(dst_hbm.at[pl.ds(wid * cpw, cpw)], didx, sem_i)
    for k in range(8):
        ones_v[pl.ds(k * 16, 16)] = jnp.ones((16,), jnp.float32)
    pltpu.sync_copy(zeros1_hbm, acc1.at[pl.ds(s * _STRIPE, _STRIPE)])
    ci.wait()
    plsc.subcore_barrier()

    src_view = ones_v.at[pl.ds(0, _CH)]

    def round_(i, carry):
        for b in range(8):
            pltpu.async_copy(src_view, acc1.at[didx.at[8 * i + b]], sem_s,
                             add=True)
        for b in range(8):
            pltpu.make_async_copy(src_view, acc1.at[didx.at[8 * i + b]],
                                  sem_s).wait()
        return carry

    lax.fori_loop(0, cpw // 8, round_, 0)
    plsc.subcore_barrier()
    pltpu.sync_copy(acc1.at[pl.ds(s * _STRIPE, _STRIPE)],
                    out_hbm.at[c].at[pl.ds(s * _STRIPE, _STRIPE)])


@jax.jit
def _deg_call(dst2d, zeros1d):
    return pl.kernel(
        _deg_body,
        out_type=jax.ShapeDtypeStruct((_NC, _N_PAD), jnp.float32),
        mesh=_mesh(),
        compiler_params=_SC_PARAMS,
        scratch_types=[
            pltpu.VMEM((_CPT // 2, _CH), jnp.int32),
            pltpu.VMEM((128,), jnp.float32),
            pltpu.VMEM_SHARED((_N_PAD,), jnp.float32),
            pltpu.SemaphoreType.DMA,
            pltpu.SemaphoreType.DMA,
        ],
    )(dst2d, zeros1d)



def _agg_body(src_hbm, dst_hbm, g_hbm, zeros2_hbm, out_hbm,
              sidx, didx,
              rows0, rows1, rows2, rows3, rows4, acc,
              sg0, sg1, sg2, sg3, sg4,
              ss0, ss1, ss2, ss3, ss4, sem_i):
    c = lax.axis_index("c")
    s = lax.axis_index("s")
    row0 = s * _CPT
    ci1 = pltpu.async_copy(src_hbm.at[pl.ds(row0, _CPT)], sidx, sem_i)
    ci2 = pltpu.async_copy(dst_hbm.at[pl.ds(row0, _CPT)], didx, sem_i)
    pltpu.sync_copy(zeros2_hbm, acc.at[pl.ds(s * _STRIPE, _STRIPE)])
    ci1.wait()
    ci2.wait()
    plsc.subcore_barrier()

    g_half = g_hbm.at[c]
    rows = (rows0, rows1, rows2, rows3, rows4)
    sg = (sg0, sg1, sg2, sg3, sg4)
    ss = (ss0, ss1, ss2, ss3, ss4)

    def g_start(b, j):
        pltpu.async_copy(g_half.at[sidx.at[j]], rows[b], sg[b])

    def g_wait(b, j):
        pltpu.make_async_copy(g_half.at[sidx.at[j]], rows[b], sg[b]).wait()

    def s_start(b, j):
        pltpu.async_copy(rows[b], acc.at[didx.at[j]], ss[b], add=True)

    def s_wait(b, j):
        pltpu.make_async_copy(rows[b], acc.at[didx.at[j]], ss[b]).wait()

    for b in range(_NBUF):
        g_start(b, b)

    def round_(i, carry):
        for b in range(_NBUF):
            j = _NBUF * i + b
            g_wait(b, j)
            s_start(b, j)
        for b in range(_NBUF):
            j = _NBUF * i + b
            s_wait(b, j)
            g_start(b, j + _NBUF)
        return carry

    lax.fori_loop(0, _CPT // _NBUF - 1, round_, 0)
    for b in range(_NBUF):
        j = _CPT - _NBUF + b
        g_wait(b, j)
        s_start(b, j)
    for b in range(_NBUF):
        j = _CPT - _NBUF + b
        s_wait(b, j)
    plsc.subcore_barrier()
    pltpu.sync_copy(acc.at[pl.ds(s * _STRIPE, _STRIPE)],
                    out_hbm.at[c].at[pl.ds(s * _STRIPE, _STRIPE)])


@jax.jit
def _agg_call(src2d, dst2d, g, zeros2d):
    return pl.kernel(
        _agg_body,
        out_type=jax.ShapeDtypeStruct((_NC, _N_PAD, _FH), jnp.float32),
        mesh=_mesh(),
        compiler_params=_SC_PARAMS,
        scratch_types=(
            [pltpu.VMEM((_CPT, _CH), jnp.int32),
             pltpu.VMEM((_CPT, _CH), jnp.int32)]
            + [pltpu.VMEM((_CH, _FH), jnp.float32) for _ in range(_NBUF)]
            + [pltpu.VMEM_SHARED((_N_PAD, _FH), jnp.float32)]
            + [pltpu.SemaphoreType.DMA for _ in range(2 * _NBUF + 1)]
        ),
    )(src2d, dst2d, g, zeros2d)



def _split(v):
    return jnp.stack([v[:, :_FH], v[:, _FH:]])


def _prep1_body(x_ref, da_ref, db_ref, w1_ref, g1_ref):
    dinv = lax.rsqrt(da_ref[...] + db_ref[...] + 1.0)
    g = jnp.dot(x_ref[...] * dinv, w1_ref[...],
                preferred_element_type=jnp.float32)
    g1_ref[...] = _split(g)


@jax.jit
def _prep1_call(x, da, db, W1):
    grid = _N // _BLK
    return pl.pallas_call(
        _prep1_body,
        grid=(grid,),
        in_specs=[
            pl.BlockSpec((_BLK, _F), lambda i: (i, 0)),
            pl.BlockSpec((_BLK, 1), lambda i: (i, 0)),
            pl.BlockSpec((_BLK, 1), lambda i: (i, 0)),
            pl.BlockSpec((_F, _F), lambda i: (0, 0)),
        ],
        out_specs=pl.BlockSpec((_NC, _BLK, _FH), lambda i: (0, i, 0)),
        out_shape=jax.ShapeDtypeStruct((_NC, _N, _FH), jnp.float32),
    )(x, da, db, W1)


def _mid_body(agg_ref, g1_ref, da_ref, db_ref, b1_ref, w2_ref, g2_ref):
    dinv = lax.rsqrt(da_ref[...] + db_ref[...] + 1.0)
    aggs = jnp.concatenate([agg_ref[0] + g1_ref[0],
                            agg_ref[1] + g1_ref[1]], axis=1)
    h = jnp.maximum(aggs * dinv + b1_ref[...], 0.0)
    g = jnp.dot(h * dinv, w2_ref[...], preferred_element_type=jnp.float32)
    g2_ref[...] = _split(g)


@jax.jit
def _mid_call(agg, g1, da, db, b1, W2):
    grid = _N // _BLK
    return pl.pallas_call(
        _mid_body,
        grid=(grid,),
        in_specs=[
            pl.BlockSpec((_NC, _BLK, _FH), lambda i: (0, i, 0)),
            pl.BlockSpec((_NC, _BLK, _FH), lambda i: (0, i, 0)),
            pl.BlockSpec((_BLK, 1), lambda i: (i, 0)),
            pl.BlockSpec((_BLK, 1), lambda i: (i, 0)),
            pl.BlockSpec((1, _F), lambda i: (0, 0)),
            pl.BlockSpec((_F, _F), lambda i: (0, 0)),
        ],
        out_specs=pl.BlockSpec((_NC, _BLK, _FH), lambda i: (0, i, 0)),
        out_shape=jax.ShapeDtypeStruct((_NC, _N, _FH), jnp.float32),
    )(agg, g1, da, db, b1, W2)


def _final_body(agg_ref, g2_ref, da_ref, db_ref, b2_ref, wo_ref, bo_ref,
                out_ref):
    dinv = lax.rsqrt(da_ref[...] + db_ref[...] + 1.0)
    aggs = jnp.concatenate([agg_ref[0] + g2_ref[0],
                            agg_ref[1] + g2_ref[1]], axis=1)
    h = jnp.maximum(aggs * dinv + b2_ref[...], 0.0)
    logits = jnp.dot(h, wo_ref[...],
                     preferred_element_type=jnp.float32) + bo_ref[...]
    m = jnp.max(logits, axis=1, keepdims=True)
    e = jnp.exp(logits - m)
    out_ref[...] = e / jnp.sum(e, axis=1, keepdims=True)


@jax.jit
def _final_call(agg, g2, da, db, b2, Wout, bout):
    grid = _N // _BLK
    return pl.pallas_call(
        _final_body,
        grid=(grid,),
        in_specs=[
            pl.BlockSpec((_NC, _BLK, _FH), lambda i: (0, i, 0)),
            pl.BlockSpec((_NC, _BLK, _FH), lambda i: (0, i, 0)),
            pl.BlockSpec((_BLK, 1), lambda i: (i, 0)),
            pl.BlockSpec((_BLK, 1), lambda i: (i, 0)),
            pl.BlockSpec((1, _F), lambda i: (0, 0)),
            pl.BlockSpec((_F, _OUT), lambda i: (0, 0)),
            pl.BlockSpec((1, _OUT), lambda i: (0, 0)),
        ],
        out_specs=pl.BlockSpec((_BLK, _OUT), lambda i: (i, 0)),
        out_shape=jax.ShapeDtypeStruct((_N, _OUT), jnp.float32),
    )(agg, g2, da, db, b2, Wout, bout)



def kernel(x, edge_index, W1, b1, W2, b2, Wout, bout):
    src2d = edge_index[0].reshape(_NCHUNK, _CH)
    dst2d = edge_index[1].reshape(_NCHUNK, _CH)
    zeros1d = jnp.zeros((_STRIPE,), jnp.float32)
    zeros2d = jnp.zeros((_STRIPE, _FH), jnp.float32)

    deg2 = _deg_call(dst2d, zeros1d)
    da = deg2[0, :_N].reshape(_N, 1)
    db = deg2[1, :_N].reshape(_N, 1)

    g1 = _prep1_call(x, da, db, W1)
    agg1 = _agg_call(src2d, dst2d, g1, zeros2d)
    g2 = _mid_call(agg1, g1, da, db, b1.reshape(1, _F), W2)
    agg2 = _agg_call(src2d, dst2d, g2, zeros2d)
    out = _final_call(agg2, g2, da, db, b2.reshape(1, _F), Wout,
                      bout.reshape(1, _OUT))
    return out

# --- scband reference (transcript-rebuilt; emitter-appended) ---
"""Pipeline reference for scband-test-gcn-73504070303824 (READ-ONLY COPY).

The authoritative reference and input builder live on the scoring server;
editing this copy changes nothing except your own understanding.
"""

import jax, jax.numpy as jnp
import numpy as np

N = 10000
E = 320000
F_IN = 128
H = 128
OUT = 8


def setup_inputs(seed: int = 0) -> dict:
    key = jax.random.key(seed)
    ks = jax.random.split(key, 8)
    x = jax.random.normal(ks[0], (N, F_IN), dtype=jnp.float32)
    edge_index = jax.random.randint(ks[1], (2, E), 0, N, dtype=jnp.int32)
    W1 = jax.random.normal(ks[2], (F_IN, H), dtype=jnp.float32) * 0.05
    b1 = jnp.zeros((H,), dtype=jnp.float32)
    W2 = jax.random.normal(ks[3], (H, H), dtype=jnp.float32) * 0.05
    b2 = jnp.zeros((H,), dtype=jnp.float32)
    Wout = jax.random.normal(ks[4], (H, OUT), dtype=jnp.float32) * 0.05
    bout = jnp.zeros((OUT,), dtype=jnp.float32)
    return {"x": x, "edge_index": edge_index, "W1": W1, "b1": b1, "W2": W2, "b2": b2, "Wout": Wout, "bout": bout}


def _gcn_conv(x, edge_index, W, b):
    src = edge_index[0]
    dst = edge_index[1]
    loop = jnp.arange(N, dtype=src.dtype)
    s = jnp.concatenate([src, loop])
    d = jnp.concatenate([dst, loop])
    # symmetric normalization with self-loops (PyG GCNConv default)
    deg = jnp.zeros((N,), dtype=jnp.float32).at[d].add(1.0)
    dinv = jnp.where(deg > 0, deg ** -0.5, 0.0)
    norm = dinv[s] * dinv[d]
    h = x @ W
    msgs = h[s] * norm[:, None]
    out = jnp.zeros((N, W.shape[1]), dtype=jnp.float32).at[d].add(msgs)
    return out + b


def reference(x, edge_index, W1, b1, W2, b2, Wout, bout):
    h = jax.nn.relu(_gcn_conv(x, edge_index, W1, b1))
    # dropout is identity in eval mode (training=False)
    h = jax.nn.relu(_gcn_conv(h, edge_index, W2, b2))
    logits = h @ Wout + bout
    return jax.nn.softmax(logits, axis=1)

if __name__ == "__main__":
    import jax
    _d = setup_inputs()
    print(jax.jit(kernel)(*tuple(_d.values())))

</pallas_src>

<mosaic_0001>
#map = affine_map<(d0, d1) -> (0, 0)>
#map1 = affine_map<(d0, d1) -> (0)>
module attributes {stable_mosaic.version = 14 : i64} {
  func.func @_deg_body(%arg0: i32, %arg1: i32, %arg2: memref<2560x125xi32, #tpu.memory_space<hbm>>, %arg3: memref<640xf32, #tpu.memory_space<hbm>>, %arg4: memref<2x10240xf32, #tpu.memory_space<hbm>>, %arg5: memref<80x125xi32, #tpu.memory_space<vmem>>, %arg6: memref<128xf32, #tpu.memory_space<vmem>>, %arg7: memref<10240xf32, #tpu.memory_space<vmem_shared>>, %arg8: memref<!tpu.dma_semaphore, #tpu.memory_space<semaphore_mem>>, %arg9: memref<!tpu.dma_semaphore, #tpu.memory_space<semaphore_mem>>) attributes {dimension_semantics = [#tpu.dimension_semantics<core_parallel>, #tpu.dimension_semantics<subcore_parallel>], iteration_bounds = array<i64: 2, 16>, scalar_prefetch = 0 : i64, scratch_operands = 5 : i64, tpu.core_type = #tpu.core_type<sc_vector_subcore>, window_params = [{transform_indices = #map}, {transform_indices = #map1}, {transform_indices = #map}]} {
    %mul3A = arith.constant 16 : i32
    %mul3A_0 = arith.muli %arg0, %mul3A : i32
    %add3A = arith.addi %mul3A_0, %arg1 : i32
    %mul3A_1 = arith.constant 80 : i32
    %mul3A_2 = arith.muli %add3A, %mul3A_1 : i32
    %dma_start3A = arith.constant 0 : i32
    %dma_start3A_3 = tpu.memref_slice %arg2[%mul3A_2, %dma_start3A] : memref<2560x125xi32, #tpu.memory_space<hbm>> -> memref<80x125xi32, #tpu.memory_space<hbm>>
    %dma_start3A_4 = arith.constant 0 : i32
    %dma_start3A_5 = tpu.memref_slice %arg2[%mul3A_2, %dma_start3A_4] : memref<2560x125xi32, #tpu.memory_space<hbm>> -> memref<80x125xi32, #tpu.memory_space<hbm>>
    tpu.enqueue_dma source(%dma_start3A_5 : memref<80x125xi32, #tpu.memory_space<hbm>>) target(%arg5 : memref<80x125xi32, #tpu.memory_space<vmem>>) target_semaphore(%arg8 : memref<!tpu.dma_semaphore, #tpu.memory_space<semaphore_mem>>)
    %broadcast_in_dim3A = arith.constant 1.000000e+00 : f32
    %broadcast_in_dim3A_6 = vector.broadcast %broadcast_in_dim3A : f32 to vector<16xf32>
    %swap3A = arith.constant 0 : index
    %swap3A_7 = tpu.vector_load %arg6[%swap3A] {strides = array<i32>} : memref<128xf32, #tpu.memory_space<vmem>>, vector<16xf32>,
    %swap3A_8 = vector.shape_cast %swap3A_7 : vector<16xf32> to vector<16xf32>
    %swap3A_9 = vector.shape_cast %broadcast_in_dim3A_6 : vector<16xf32> to vector<16xf32>
    tpu.vector_store %arg6[%swap3A], %swap3A_9 {strides = array<i32>} : memref<128xf32, #tpu.memory_space<vmem>>, vector<16xf32>,
    %broadcast_in_dim3A_10 = arith.constant 1.000000e+00 : f32
    %broadcast_in_dim3A_11 = vector.broadcast %broadcast_in_dim3A_10 : f32 to vector<16xf32>
    %swap3A_12 = arith.constant 16 : index
    %swap3A_13 = tpu.vector_load %arg6[%swap3A_12] {strides = array<i32>} : memref<128xf32, #tpu.memory_space<vmem>>, vector<16xf32>,
    %swap3A_14 = vector.shape_cast %swap3A_13 : vector<16xf32> to vector<16xf32>
    %swap3A_15 = vector.shape_cast %broadcast_in_dim3A_11 : vector<16xf32> to vector<16xf32>
    tpu.vector_store %arg6[%swap3A_12], %swap3A_15 {strides = array<i32>} : memref<128xf32, #tpu.memory_space<vmem>>, vector<16xf32>,
    %broadcast_in_dim3A_16 = arith.constant 1.000000e+00 : f32
    %broadcast_in_dim3A_17 = vector.broadcast %broadcast_in_dim3A_16 : f32 to vector<16xf32>
    %swap3A_18 = arith.constant 32 : index
    %swap3A_19 = tpu.vector_load %arg6[%swap3A_18] {strides = array<i32>} : memref<128xf32, #tpu.memory_space<vmem>>, vector<16xf32>,
    %swap3A_20 = vector.shape_cast %swap3A_19 : vector<16xf32> to vector<16xf32>
    %swap3A_21 = vector.shape_cast %broadcast_in_dim3A_17 : vector<16xf32> to vector<16xf32>
    tpu.vector_store %arg6[%swap3A_18], %swap3A_21 {strides = array<i32>} : memref<128xf32, #tpu.memory_space<vmem>>, vector<16xf32>,
    %broadcast_in_dim3A_22 = arith.constant 1.000000e+00 : f32
    %broadcast_in_dim3A_23 = vector.broadcast %broadcast_in_dim3A_22 : f32 to vector<16xf32>
    %swap3A_24 = arith.constant 48 : index
    %swap3A_25 = tpu.vector_load %arg6[%swap3A_24] {strides = array<i32>} : memref<128xf32, #tpu.memory_space<vmem>>, vector<16xf32>,
    %swap3A_26 = vector.shape_cast %swap3A_25 : vector<16xf32> to vector<16xf32>
    %swap3A_27 = vector.shape_cast %broadcast_in_dim3A_23 : vector<16xf32> to vector<16xf32>
    tpu.vector_store %arg6[%swap3A_24], %swap3A_27 {strides = array<i32>} : memref<128xf32, #tpu.memory_space<vmem>>, vector<16xf32>,
    %broadcast_in_dim3A_28 = arith.constant 1.000000e+00 : f32
    %broadcast_in_dim3A_29 = vector.broadcast %broadcast_in_dim3A_28 : f32 to vector<16xf32>
    %swap3A_30 = arith.constant 64 : index
    %swap3A_31 = tpu.vector_load %arg6[%swap3A_30] {strides = array<i32>} : memref<128xf32, #tpu.memory_space<vmem>>, vector<16xf32>,
    %swap3A_32 = vector.shape_cast %swap3A_31 : vector<16xf32> to vector<16xf32>
    %swap3A_33 = vector.shape_cast %broadcast_in_dim3A_29 : vector<16xf32> to vector<16xf32>
    tpu.vector_store %arg6[%swap3A_30], %swap3A_33 {strides = array<i32>} : memref<128xf32, #tpu.memory_space<vmem>>, vector<16xf32>,
    %broadcast_in_dim3A_34 = arith.constant 1.000000e+00 : f32
    %broadcast_in_dim3A_35 = vector.broadcast %broadcast_in_dim3A_34 : f32 to vector<16xf32>
    %swap3A_36 = arith.constant 80 : index
    %swap3A_37 = tpu.vector_load %arg6[%swap3A_36] {strides = array<i32>} : memref<128xf32, #tpu.memory_space<vmem>>, vector<16xf32>,
    %swap3A_38 = vector.shape_cast %swap3A_37 : vector<16xf32> to vector<16xf32>
    %swap3A_39 = vector.shape_cast %broadcast_in_dim3A_35 : vector<16xf32> to vector<16xf32>
    tpu.vector_store %arg6[%swap3A_36], %swap3A_39 {strides = array<i32>} : memref<128xf32, #tpu.memory_space<vmem>>, vector<16xf32>,
    %broadcast_in_dim3A_40 = arith.constant 1.000000e+00 : f32
    %broadcast_in_dim3A_41 = vector.broadcast %broadcast_in_dim3A_40 : f32 to vector<16xf32>
    %swap3A_42 = arith.constant 96 : index
    %swap3A_43 = tpu.vector_load %arg6[%swap3A_42] {strides = array<i32>} : memref<128xf32, #tpu.memory_space<vmem>>, vector<16xf32>,
    %swap3A_44 = vector.shape_cast %swap3A_43 : vector<16xf32> to vector<16xf32>
    %swap3A_45 = vector.shape_cast %broadcast_in_dim3A_41 : vector<16xf32> to vector<16xf32>
    tpu.vector_store %arg6[%swap3A_42], %swap3A_45 {strides = array<i32>} : memref<128xf32, #tpu.memory_space<vmem>>, vector<16xf32>,
    %broadcast_in_dim3A_46 = arith.constant 1.000000e+00 : f32
    %broadcast_in_dim3A_47 = vector.broadcast %broadcast_in_dim3A_46 : f32 to vector<16xf32>
    %swap3A_48 = arith.constant 112 : index
    %swap3A_49 = tpu.vector_load %arg6[%swap3A_48] {strides = array<i32>} : memref<128xf32, #tpu.memory_space<vmem>>, vector<16xf32>,
    %swap3A_50 = vector.shape_cast %swap3A_49 : vector<16xf32> to vector<16xf32>
    %swap3A_51 = vector.shape_cast %broadcast_in_dim3A_47 : vector<16xf32> to vector<16xf32>
    tpu.vector_store %arg6[%swap3A_48], %swap3A_51 {strides = array<i32>} : memref<128xf32, #tpu.memory_space<vmem>>, vector<16xf32>,
    %mul3A_52 = arith.constant 640 : i32
    %mul3A_53 = arith.muli %arg1, %mul3A_52 : i32
    "tpu.region"() ({
      %run_scoped3A = tpu.sem_alloc : memref<!tpu.dma_semaphore, #tpu.memory_space<semaphore_mem>>
      %dma_start3A_67 = tpu.memref_slice %arg7[%mul3A_53] : memref<10240xf32, #tpu.memory_space<vmem_shared>> -> memref<640xf32, #tpu.memory_space<vmem_shared>>
      tpu.enqueue_dma source(%arg3 : memref<640xf32, #tpu.memory_space<hbm>>) target(%dma_start3A_67 : memref<640xf32, #tpu.memory_space<vmem_shared>>) target_semaphore(%run_scoped3A : memref<!tpu.dma_semaphore, #tpu.memory_space<semaphore_mem>>)
      %dma_wait3A_68 = tpu.memref_slice %arg7[%mul3A_53] : memref<10240xf32, #tpu.memory_space<vmem_shared>> -> memref<640xf32, #tpu.memory_space<vmem_shared>>
      tpu.wait_dma2 semaphore(%run_scoped3A : memref<!tpu.dma_semaphore, #tpu.memory_space<semaphore_mem>>) src(%arg3 : memref<640xf32, #tpu.memory_space<hbm>>) dst(%dma_wait3A_68 : memref<640xf32, #tpu.memory_space<vmem_shared>>)
      tpu.yield
    }) : () -> ()
    %dma_wait3A = arith.constant 0 : i32
    %dma_wait3A_54 = tpu.memref_slice %arg2[%mul3A_2, %dma_wait3A] : memref<2560x125xi32, #tpu.memory_space<hbm>> -> memref<80x125xi32, #tpu.memory_space<hbm>>
    %dma_wait3A_55 = arith.constant 0 : i32
    %dma_wait3A_56 = tpu.memref_slice %arg2[%mul3A_2, %dma_wait3A_55] : memref<2560x125xi32, #tpu.memory_space<hbm>> -> memref<80x125xi32, #tpu.memory_space<hbm>>
    tpu.wait_dma2 semaphore(%arg8 : memref<!tpu.dma_semaphore, #tpu.memory_space<semaphore_mem>>) src(%dma_wait3A_56 : memref<80x125xi32, #tpu.memory_space<hbm>>) dst(%arg5 : memref<80x125xi32, #tpu.memory_space<vmem>>)
    %barrier3A = arith.constant 0 : index
    tpu.barrier barrier_id(%barrier3A)
    %scan3A = arith.constant 0 : i32
    %scan3A_57 = arith.constant 0 : i32
    %scan3A_58 = arith.constant 10 : i32
    %scan3A_59 = arith.addi %scan3A_57, %scan3A_58 : i32
    %scan3A_60 = arith.constant 1 : i32
    scf.for %scan3A_67 = %scan3A_57 to %scan3A_59 step %scan3A_60  : i32 {
      %mul3A_68 = arith.constant 8 : i32
      %mul3A_69 = arith.muli %mul3A_68, %scan3A_67 : i32
      %add3A_70 = arith.constant 0 : i32
      %add3A_71 = arith.addi %mul3A_69, %add3A_70 : i32
      %dma_start3A_72 = arith.constant 0 : i32
      %dma_start3A_73 = tpu.memref_slice %arg6[%dma_start3A_72] : memref<128xf32, #tpu.memory_space<vmem>> -> memref<125xf32, #tpu.memory_space<vmem>>
      %dma_start3A_74 = arith.constant 0 : i32
      %dma_start3A_75 = tpu.memref_slice %arg5[%add3A_71, %dma_start3A_74] : memref<80x125xi32, #tpu.memory_space<vmem>> -> memref<1x125xi32, #tpu.memory_space<vmem>>
      %dma_start3A_76 = tpu.memref_squeeze %dma_start3A_75 : memref<1x125xi32, #tpu.memory_space<vmem>> -> memref<125xi32, #tpu.memory_space<vmem>>
      %dma_start3A_77 = arith.constant 0 : i32
      %dma_start3A_78 = tpu.memref_slice %arg7[%dma_start3A_77] : memref<10240xf32, #tpu.memory_space<vmem_shared>> -> memref<10240xf32, #tpu.memory_space<vmem_shared>>
      tpu.enqueue_indirect_dma source(%dma_start3A_73 : memref<125xf32, #tpu.memory_space<vmem>>) target(%dma_start3A_78 : memref<10240xf32, #tpu.memory_space<vmem_shared>>) offsets(%dma_start3A_76 : memref<125xi32, #tpu.memory_space<vmem>>) semaphore(%arg9 : memref<!tpu.dma_semaphore, #tpu.memory_space<semaphore_mem>>) {add = true}
      %mul3A_79 = arith.constant 8 : i32
      %mul3A_80 = arith.muli %mul3A_79, %scan3A_67 : i32
      %add3A_81 = arith.constant 1 : i32
      %add3A_82 = arith.addi %mul3A_80, %add3A_81 : i32
      %dma_start3A_83 = arith.constant 0 : i32
      %dma_start3A_84 = tpu.memref_slice %arg6[%dma_start3A_83] : memref<128xf32, #tpu.memory_space<vmem>> -> memref<125xf32, #tpu.memory_space<vmem>>
      %dma_start3A_85 = arith.constant 0 : i32
      %dma_start3A_86 = tpu.memref_slice %arg5[%add3A_82, %dma_start3A_85] : memref<80x125xi32, #tpu.memory_space<vmem>> -> memref<1x125xi32, #tpu.memory_space<vmem>>
      %dma_start3A_87 = tpu.memref_squeeze %dma_start3A_86 : memref<1x125xi32, #tpu.memory_space<vmem>> -> memref<125xi32, #tpu.memory_space<vmem>>
      %dma_start3A_88 = arith.constant 0 : i32
      %dma_start3A_89 = tpu.memref_slice %arg7[%dma_start3A_88] : memref<10240xf32, #tpu.memory_space<vmem_shared>> -> memref<10240xf32, #tpu.memory_space<vmem_shared>>
      tpu.enqueue_indirect_dma source(%dma_start3A_84 : memref<125xf32, #tpu.memory_space<vmem>>) target(%dma_start3A_89 : memref<10240xf32, #tpu.memory_space<vmem_shared>>) offsets(%dma_start3A_87 : memref<125xi32, #tpu.memory_space<vmem>>) semaphore(%arg9 : memref<!tpu.dma_semaphore, #tpu.memory_space<semaphore_mem>>) {add = true}
      %mul3A_90 = arith.constant 8 : i32
      %mul3A_91 = arith.muli %mul3A_90, %scan3A_67 : i32
      %add3A_92 = arith.constant 2 : i32
      %add3A_93 = arith.addi %mul3A_91, %add3A_92 : i32
      %dma_start3A_94 = arith.constant 0 : i32
      %dma_start3A_95 = tpu.memref_slice %arg6[%dma_start3A_94] : memref<128xf32, #tpu.memory_space<vmem>> -> memref<125xf32, #tpu.memory_space<vmem>>
      %dma_start3A_96 = arith.constant 0 : i32
      %dma_start3A_97 = tpu.memref_slice %arg5[%add3A_93, %dma_start3A_96] : memref<80x125xi32, #tpu.memory_space<vmem>> -> memref<1x125xi32, #tpu.memory_space<vmem>>
      %dma_start3A_98 = tpu.memref_squeeze %dma_start3A_97 : memref<1x125xi32, #tpu.memory_space<vmem>> -> memref<125xi32, #tpu.memory_space<vmem>>
      %dma_start3A_99 = arith.constant 0 : i32
      %dma_start3A_100 = tpu.memref_slice %arg7[%dma_start3A_99] : memref<10240xf32, #tpu.memory_space<vmem_shared>> -> memref<10240xf32, #tpu.memory_space<vmem_shared>>
      tpu.enqueue_indirect_dma source(%dma_start3A_95 : memref<125xf32, #tpu.memory_space<vmem>>) target(%dma_start3A_100 : memref<10240xf32, #tpu.memory_space<vmem_shared>>) offsets(%dma_start3A_98 : memref<125xi32, #tpu.memory_space<vmem>>) semaphore(%arg9 : memref<!tpu.dma_semaphore, #tpu.memory_space<semaphore_mem>>) {add = true}
      %mul3A_101 = arith.constant 8 : i32
      %mul3A_102 = arith.muli %mul3A_101, %scan3A_67 : i32
      %add3A_103 = arith.constant 3 : i32
      %add3A_104 = arith.addi %mul3A_102, %add3A_103 : i32
      %dma_start3A_105 = arith.constant 0 : i32
      %dma_start3A_106 = tpu.memref_slice %arg6[%dma_start3A_105] : memref<128xf32, #tpu.memory_space<vmem>> -> memref<125xf32, #tpu.memory_space<vmem>>
      %dma_start3A_107 = arith.constant 0 : i32
      %dma_start3A_108 = tpu.memref_slice %arg5[%add3A_104, %dma_start3A_107] : memref<80x125xi32, #tpu.memory_space<vmem>> -> memref<1x125xi32, #tpu.memory_space<vmem>>
      %dma_start3A_109 = tpu.memref_squeeze %dma_start3A_108 : memref<1x125xi32, #tpu.memory_space<vmem>> -> memref<125xi32, #tpu.memory_space<vmem>>
      %dma_start3A_110 = arith.constant 0 : i32
      %dma_start3A_111 = tpu.memref_slice %arg7[%dma_start3A_110] : memref<10240xf32, #tpu.memory_space<vmem_shared>> -> memref<10240xf32, #tpu.memory_space<vmem_shared>>
      tpu.enqueue_indirect_dma source(%dma_start3A_106 : memref<125xf32, #tpu.memory_space<vmem>>) target(%dma_start3A_111 : memref<10240xf32, #tpu.memory_space<vmem_shared>>) offsets(%dma_start3A_109 : memref<125xi32, #tpu.memory_space<vmem>>) semaphore(%arg9 : memref<!tpu.dma_semaphore, #tpu.memory_space<semaphore_mem>>) {add = true}
      %mul3A_112 = arith.constant 8 : i32
      %mul3A_113 = arith.muli %mul3A_112, %scan3A_67 : i32
      %add3A_114 = arith.constant 4 : i32
      %add3A_115 = arith.addi %mul3A_113, %add3A_114 : i32
      %dma_start3A_116 = arith.constant 0 : i32
      %dma_start3A_117 = tpu.memref_slice %arg6[%dma_start3A_116] : memref<128xf32, #tpu.memory_space<vmem>> -> memref<125xf32, #tpu.memory_space<vmem>>
      %dma_start3A_118 = arith.constant 0 : i32
      %dma_start3A_119 = tpu.memref_slice %arg5[%add3A_115, %dma_start3A_118] : memref<80x125xi32, #tpu.memory_space<vmem>> -> memref<1x125xi32, #tpu.memory_space<vmem>>
      %dma_start3A_120 = tpu.memref_squeeze %dma_start3A_119 : memref<1x125xi32, #tpu.memory_space<vmem>> -> memref<125xi32, #tpu.memory_space<vmem>>
      %dma_start3A_121 = arith.constant 0 : i32
      %dma_start3A_122 = tpu.memref_slice %arg7[%dma_start3A_121] : memref<10240xf32, #tpu.memory_space<vmem_shared>> -> memref<10240xf32, #tpu.memory_space<vmem_shared>>
      tpu.enqueue_indirect_dma source(%dma_start3A_117 : memref<125xf32, #tpu.memory_space<vmem>>) target(%dma_start3A_122 : memref<10240xf32, #tpu.memory_space<vmem_shared>>) offsets(%dma_start3A_120 : memref<125xi32, #tpu.memory_space<vmem>>) semaphore(%arg9 : memref<!tpu.dma_semaphore, #tpu.memory_space<semaphore_mem>>) {add = true}
      %mul3A_123 = arith.constant 8 : i32
      %mul3A_124 = arith.muli %mul3A_123, %scan3A_67 : i32
      %add3A_125 = arith.constant 5 : i32
      %add3A_126 = arith.addi %mul3A_124, %add3A_125 : i32
      %dma_start3A_127 = arith.constant 0 : i32
      %dma_start3A_128 = tpu.memref_slice %arg6[%dma_start3A_127] : memref<128xf32, #tpu.memory_space<vmem>> -> memref<125xf32, #tpu.memory_space<vmem>>
      %dma_start3A_129 = arith.constant 0 : i32
      %dma_start3A_130 = tpu.memref_slice %arg5[%add3A_126, %dma_start3A_129] : memref<80x125xi32, #tpu.memory_space<vmem>> -> memref<1x125xi32, #tpu.memory_space<vmem>>
      %dma_start3A_131 = tpu.memref_squeeze %dma_start3A_130 : memref<1x125xi32, #tpu.memory_space<vmem>> -> memref<125xi32, #tpu.memory_space<vmem>>
      %dma_start3A_132 = arith.constant 0 : i32
      %dma_start3A_133 = tpu.memref_slice %arg7[%dma_start3A_132] : memref<10240xf32, #tpu.memory_space<vmem_shared>> -> memref<10240xf32, #tpu.memory_space<vmem_shared>>
      tpu.enqueue_indirect_dma source(%dma_start3A_128 : memref<125xf32, #tpu.memory_space<vmem>>) target(%dma_start3A_133 : memref<10240xf32, #tpu.memory_space<vmem_shared>>) offsets(%dma_start3A_131 : memref<125xi32, #tpu.memory_space<vmem>>) semaphore(%arg9 : memref<!tpu.dma_semaphore, #tpu.memory_space<semaphore_mem>>) {add = true}
      %mul3A_134 = arith.constant 8 : i32
      %mul3A_135 = arith.muli %mul3A_134, %scan3A_67 : i32
      %add3A_136 = arith.constant 6 : i32
      %add3A_137 = arith.addi %mul3A_135, %add3A_136 : i32
      %dma_start3A_138 = arith.constant 0 : i32
      %dma_start3A_139 = tpu.memref_slice %arg6[%dma_start3A_138] : memref<128xf32, #tpu.memory_space<vmem>> -> memref<125xf32, #tpu.memory_space<vmem>>
      %dma_start3A_140 = arith.constant 0 : i32
      %dma_start3A_141 = tpu.memref_slice %arg5[%add3A_137, %dma_start3A_140] : memref<80x125xi32, #tpu.memory_space<vmem>> -> memref<1x125xi32, #tpu.memory_space<vmem>>
      %dma_start3A_142 = tpu.memref_squeeze %dma_start3A_141 : memref<1x125xi32, #tpu.memory_space<vmem>> -> memref<125xi32, #tpu.memory_space<vmem>>
      %dma_start3A_143 = arith.constant 0 : i32
      %dma_start3A_144 = tpu.memref_slice %arg7[%dma_start3A_143] : memref<10240xf32, #tpu.memory_space<vmem_shared>> -> memref<10240xf32, #tpu.memory_space<vmem_shared>>
      tpu.enqueue_indirect_dma source(%dma_start3A_139 : memref<125xf32, #tpu.memory_space<vmem>>) target(%dma_start3A_144 : memref<10240xf32, #tpu.memory_space<vmem_shared>>) offsets(%dma_start3A_142 : memref<125xi32, #tpu.memory_space<vmem>>) semaphore(%arg9 : memref<!tpu.dma_semaphore, #tpu.memory_space<semaphore_mem>>) {add = true}
      %mul3A_145 = arith.constant 8 : i32
      %mul3A_146 = arith.muli %mul3A_145, %scan3A_67 : i32
      %add3A_147 = arith.constant 7 : i32
      %add3A_148 = arith.addi %mul3A_146, %add3A_147 : i32
      %dma_start3A_149 = arith.constant 0 : i32
      %dma_start3A_150 = tpu.memref_slice %arg6[%dma_start3A_149] : memref<128xf32, #tpu.memory_space<vmem>> -> memref<125xf32, #tpu.memory_space<vmem>>
      %dma_start3A_151 = arith.constant 0 : i32
      %dma_start3A_152 = tpu.memref_slice %arg5[%add3A_148, %dma_start3A_151] : memref<80x125xi32, #tpu.memory_space<vmem>> -> memref<1x125xi32, #tpu.memory_space<vmem>>
      %dma_start3A_153 = tpu.memref_squeeze %dma_start3A_152 : memref<1x125xi32, #tpu.memory_space<vmem>> -> memref<125xi32, #tpu.memory_space<vmem>>
      %dma_start3A_154 = arith.constant 0 : i32
      %dma_start3A_155 = tpu.memref_slice %arg7[%dma_start3A_154] : memref<10240xf32, #tpu.memory_space<vmem_shared>> -> memref<10240xf32, #tpu.memory_space<vmem_shared>>
      tpu.enqueue_indirect_dma source(%dma_start3A_150 : memref<125xf32, #tpu.memory_space<vmem>>) target(%dma_start3A_155 : memref<10240xf32, #tpu.memory_space<vmem_shared>>) offsets(%dma_start3A_153 : memref<125xi32, #tpu.memory_space<vmem>>) semaphore(%arg9 : memref<!tpu.dma_semaphore, #tpu.memory_space<semaphore_mem>>) {add = true}
      %mul3A_156 = arith.constant 8 : i32
      %mul3A_157 = arith.muli %mul3A_156, %scan3A_67 : i32
      %add3A_158 = arith.constant 0 : i32
      %add3A_159 = arith.addi %mul3A_157, %add3A_158 : i32
      %dma_wait3A_160 = arith.constant 0 : i32
      %dma_wait3A_161 = tpu.memref_slice %arg6[%dma_wait3A_160] : memref<128xf32, #tpu.memory_space<vmem>> -> memref<125xf32, #tpu.memory_space<vmem>>
      %dma_wait3A_162 = arith.constant 0 : i32
      %dma_wait3A_163 = tpu.memref_slice %arg5[%add3A_159, %dma_wait3A_162] : memref<80x125xi32, #tpu.memory_space<vmem>> -> memref<1x125xi32, #tpu.memory_space<vmem>>
      %dma_wait3A_164 = tpu.memref_squeeze %dma_wait3A_163 : memref<1x125xi32, #tpu.memory_space<vmem>> -> memref<125xi32, #tpu.memory_space<vmem>>
      %dma_wait3A_165 = arith.constant 0 : i32
      %dma_wait3A_166 = tpu.memref_slice %arg7[%dma_wait3A_165] : memref<10240xf32, #tpu.memory_space<vmem_shared>> -> memref<10240xf32, #tpu.memory_space<vmem_shared>>
      tpu.wait_indirect_dma semaphore(%arg9 : memref<!tpu.dma_semaphore, #tpu.memory_space<semaphore_mem>>) src(%dma_wait3A_161 : memref<125xf32, #tpu.memory_space<vmem>>) dst(%dma_wait3A_166 : memref<10240xf32, #tpu.memory_space<vmem_shared>>)
      %mul3A_167 = arith.constant 8 : i32
      %mul3A_168 = arith.muli %mul3A_167, %scan3A_67 : i32
      %add3A_169 = arith.constant 1 : i32
      %add3A_170 = arith.addi %mul3A_168, %add3A_169 : i32
      %dma_wait3A_171 = arith.constant 0 : i32
      %dma_wait3A_172 = tpu.memref_slice %arg6[%dma_wait3A_171] : memref<128xf32, #tpu.memory_space<vmem>> -> memref<125xf32, #tpu.memory_space<vmem>>
      %dma_wait3A_173 = arith.constant 0 : i32
      %dma_wait3A_174 = tpu.memref_slice %arg5[%add3A_170, %dma_wait3A_173] : memref<80x125xi32, #tpu.memory_space<vmem>> -> memref<1x125xi32, #tpu.memory_space<vmem>>
      %dma_wait3A_175 = tpu.memref_squeeze %dma_wait3A_174 : memref<1x125xi32, #tpu.memory_space<vmem>> -> memref<125xi32, #tpu.memory_space<vmem>>
      %dma_wait3A_176 = arith.constant 0 : i32
      %dma_wait3A_177 = tpu.memref_slice %arg7[%dma_wait3A_176] : memref<10240xf32, #tpu.memory_space<vmem_shared>> -> memref<10240xf32, #tpu.memory_space<vmem_shared>>
      tpu.wait_indirect_dma semaphore(%arg9 : memref<!tpu.dma_semaphore, #tpu.memory_space<semaphore_mem>>) src(%dma_wait3A_172 : memref<125xf32, #tpu.memory_space<vmem>>) dst(%dma_wait3A_177 : memref<10240xf32, #tpu.memory_space<vmem_shared>>)
      %mul3A_178 = arith.constant 8 : i32
      %mul3A_179 = arith.muli %mul3A_178, %scan3A_67 : i32
      %add3A_180 = arith.constant 2 : i32
      %add3A_181 = arith.addi %mul3A_179, %add3A_180 : i32
      %dma_wait3A_182 = arith.constant 0 : i32
      %dma_wait3A_183 = tpu.memref_slice %arg6[%dma_wait3A_182] : memref<128xf32, #tpu.memory_space<vmem>> -> memref<125xf32, #tpu.memory_space<vmem>>
      %dma_wait3A_184 = arith.constant 0 : i32
      %dma_wait3A_185 = tpu.memref_slice %arg5[%add3A_181, %dma_wait3A_184] : memref<80x125xi32, #tpu.memory_space<vmem>> -> memref<1x125xi32, #tpu.memory_space<vmem>>
      %dma_wait3A_186 = tpu.memref_squeeze %dma_wait3A_185 : memref<1x125xi32, #tpu.memory_space<vmem>> -> memref<125xi32, #tpu.memory_space<vmem>>
      %dma_wait3A_187 = arith.constant 0 : i32
      %dma_wait3A_188 = tpu.memref_slice %arg7[%dma_wait3A_187] : memref<10240xf32, #tpu.memory_space<vmem_shared>> -> memref<10240xf32, #tpu.memory_space<vmem_shared>>
      tpu.wait_indirect_dma semaphore(%arg9 : memref<!tpu.dma_semaphore, #tpu.memory_space<semaphore_mem>>) src(%dma_wait3A_183 : memref<125xf32, #tpu.memory_space<vmem>>) dst(%dma_wait3A_188 : memref<10240xf32, #tpu.memory_space<vmem_shared>>)
      %mul3A_189 = arith.constant 8 : i32
      %mul3A_190 = arith.muli %mul3A_189, %scan3A_67 : i32
      %add3A_191 = arith.constant 3 : i32
      %add3A_192 = arith.addi %mul3A_190, %add3A_191 : i32
      %dma_wait3A_193 = arith.constant 0 : i32
      %dma_wait3A_194 = tpu.memref_slice %arg6[%dma_wait3A_193] : memref<128xf32, #tpu.memory_space<vmem>> -> memref<125xf32, #tpu.memory_space<vmem>>
      %dma_wait3A_195 = arith.constant 0 : i32
      %dma_wait3A_196 = tpu.memref_slice %arg5[%add3A_192, %dma_wait3A_195] : memref<80x125xi32, #tpu.memory_space<vmem>> -> memref<1x125xi32, #tpu.memory_space<vmem>>
      %dma_wait3A_197 = tpu.memref_squeeze %dma_wait3A_196 : memref<1x125xi32, #tpu.memory_space<vmem>> -> memref<125xi32, #tpu.memory_space<vmem>>
      %dma_wait3A_198 = arith.constant 0 : i32
      %dma_wait3A_199 = tpu.memref_slice %arg7[%dma_wait3A_198] : memref<10240xf32, #tpu.memory_space<vmem_shared>> -> memref<10240xf32, #tpu.memory_space<vmem_shared>>
      tpu.wait_indirect_dma semaphore(%arg9 : memref<!tpu.dma_semaphore, #tpu.memory_space<semaphore_mem>>) src(%dma_wait3A_194 : memref<125xf32, #tpu.memory_space<vmem>>) dst(%dma_wait3A_199 : memref<10240xf32, #tpu.memory_space<vmem_shared>>)
      %mul3A_200 = arith.constant 8 : i32
      %mul3A_201 = arith.muli %mul3A_200, %scan3A_67 : i32
      %add3A_202 = arith.constant 4 : i32
      %add3A_203 = arith.addi %mul3A_201, %add3A_202 : i32
      %dma_wait3A_204 = arith.constant 0 : i32
      %dma_wait3A_205 = tpu.memref_slice %arg6[%dma_wait3A_204] : memref<128xf32, #tpu.memory_space<vmem>> -> memref<125xf32, #tpu.memory_space<vmem>>
      %dma_wait3A_206 = arith.constant 0 : i32
      %dma_wait3A_207 = tpu.memref_slice %arg5[%add3A_203, %dma_wait3A_206] : memref<80x125xi32, #tpu.memory_space<vmem>> -> memref<1x125xi32, #tpu.memory_space<vmem>>
      %dma_wait3A_208 = tpu.memref_squeeze %dma_wait3A_207 : memref<1x125xi32, #tpu.memory_space<vmem>> -> memref<125xi32, #tpu.memory_space<vmem>>
      %dma_wait3A_209 = arith.constant 0 : i32
      %dma_wait3A_210 = tpu.memref_slice %arg7[%dma_wait3A_209] : memref<10240xf32, #tpu.memory_space<vmem_shared>> -> memref<10240xf32, #tpu.memory_space<vmem_shared>>
      tpu.wait_indirect_dma semaphore(%arg9 : memref<!tpu.dma_semaphore, #tpu.memory_space<semaphore_mem>>) src(%dma_wait3A_205 : memref<125xf32, #tpu.memory_space<vmem>>) dst(%dma_wait3A_210 : memref<10240xf32, #tpu.memory_space<vmem_shared>>)
      %mul3A_211 = arith.constant 8 : i32
      %mul3A_212 = arith.muli %mul3A_211, %scan3A_67 : i32
      %add3A_213 = arith.constant 5 : i32
      %add3A_214 = arith.addi %mul3A_212, %add3A_213 : i32
      %dma_wait3A_215 = arith.constant 0 : i32
      %dma_wait3A_216 = tpu.memref_slice %arg6[%dma_wait3A_215] : memref<128xf32, #tpu.memory_space<vmem>> -> memref<125xf32, #tpu.memory_space<vmem>>
      %dma_wait3A_217 = arith.constant 0 : i32
      %dma_wait3A_218 = tpu.memref_slice %arg5[%add3A_214, %dma_wait3A_217] : memref<80x125xi32, #tpu.memory_space<vmem>> -> memref<1x125xi32, #tpu.memory_space<vmem>>
      %dma_wait3A_219 = tpu.memref_squeeze %dma_wait3A_218 : memref<1x125xi32, #tpu.memory_space<vmem>> -> memref<125xi32, #tpu.memory_space<vmem>>
      %dma_wait3A_220 = arith.constant 0 : i32
      %dma_wait3A_221 = tpu.memref_slice %arg7[%dma_wait3A_220] : memref<10240xf32, #tpu.memory_space<vmem_shared>> -> memref<10240xf32, #tpu.memory_space<vmem_shared>>
      tpu.wait_indirect_dma semaphore(%arg9 : memref<!tpu.dma_semaphore, #tpu.memory_space<semaphore_mem>>) src(%dma_wait3A_216 : memref<125xf32, #tpu.memory_space<vmem>>) dst(%dma_wait3A_221 : memref<10240xf32, #tpu.memory_space<vmem_shared>>)
      %mul3A_222 = arith.constant 8 : i32
      %mul3A_223 = arith.muli %mul3A_222, %scan3A_67 : i32
      %add3A_224 = arith.constant 6 : i32
      %add3A_225 = arith.addi %mul3A_223, %add3A_224 : i32
      %dma_wait3A_226 = arith.constant 0 : i32
      %dma_wait3A_227 = tpu.memref_slice %arg6[%dma_wait3A_226] : memref<128xf32, #tpu.memory_space<vmem>> -> memref<125xf32, #tpu.memory_space<vmem>>
      %dma_wait3A_228 = arith.constant 0 : i32
      %dma_wait3A_229 = tpu.memref_slice %arg5[%add3A_225, %dma_wait3A_228] : memref<80x125xi32, #tpu.memory_space<vmem>> -> memref<1x125xi32, #tpu.memory_space<vmem>>
      %dma_wait3A_230 = tpu.memref_squeeze %dma_wait3A_229 : memref<1x125xi32, #tpu.memory_space<vmem>> -> memref<125xi32, #tpu.memory_space<vmem>>
      %dma_wait3A_231 = arith.constant 0 : i32
      %dma_wait3A_232 = tpu.memref_slice %arg7[%dma_wait3A_231] : memref<10240xf32, #tpu.memory_space<vmem_shared>> -> memref<10240xf32, #tpu.memory_space<vmem_shared>>
      tpu.wait_indirect_dma semaphore(%arg9 : memref<!tpu.dma_semaphore, #tpu.memory_space<semaphore_mem>>) src(%dma_wait3A_227 : memref<125xf32, #tpu.memory_space<vmem>>) dst(%dma_wait3A_232 : memref<10240xf32, #tpu.memory_space<vmem_shared>>)
      %mul3A_233 = arith.constant 8 : i32
      %mul3A_234 = arith.muli %mul3A_233, %scan3A_67 : i32
      %add3A_235 = arith.constant 7 : i32
      %add3A_236 = arith.addi %mul3A_234, %add3A_235 : i32
      %dma_wait3A_237 = arith.constant 0 : i32
      %dma_wait3A_238 = tpu.memref_slice %arg6[%dma_wait3A_237] : memref<128xf32, #tpu.memory_space<vmem>> -> memref<125xf32, #tpu.memory_space<vmem>>
      %dma_wait3A_239 = arith.constant 0 : i32
      %dma_wait3A_240 = tpu.memref_slice %arg5[%add3A_236, %dma_wait3A_239] : memref<80x125xi32, #tpu.memory_space<vmem>> -> memref<1x125xi32, #tpu.memory_space<vmem>>
      %dma_wait3A_241 = tpu.memref_squeeze %dma_wait3A_240 : memref<1x125xi32, #tpu.memory_space<vmem>> -> memref<125xi32, #tpu.memory_space<vmem>>
      %dma_wait3A_242 = arith.constant 0 : i32
      %dma_wait3A_243 = tpu.memref_slice %arg7[%dma_wait3A_242] : memref<10240xf32, #tpu.memory_space<vmem_shared>> -> memref<10240xf32, #tpu.memory_space<vmem_shared>>
      tpu.wait_indirect_dma semaphore(%arg9 : memref<!tpu.dma_semaphore, #tpu.memory_space<semaphore_mem>>) src(%dma_wait3A_238 : memref<125xf32, #tpu.memory_space<vmem>>) dst(%dma_wait3A_243 : memref<10240xf32, #tpu.memory_space<vmem_shared>>)
    }
    %scan3A_61 = arith.constant 10 : i32
    %barrier3A_62 = arith.constant 0 : index
    tpu.barrier barrier_id(%barrier3A_62)
    %mul3A_63 = arith.constant 640 : i32
    %mul3A_64 = arith.muli %arg1, %mul3A_63 : i32
    %mul3A_65 = arith.constant 640 : i32
    %mul3A_66 = arith.muli %arg1, %mul3A_65 : i32
    "tpu.region"() ({
      %run_scoped3A = tpu.sem_alloc : memref<!tpu.dma_semaphore, #tpu.memory_space<semaphore_mem>>
      %dma_start3A_67 = arith.constant 0 : i32
      %dma_start3A_68 = tpu.memref_slice %arg4[%arg0, %dma_start3A_67] : memref<2x10240xf32, #tpu.memory_space<hbm>> -> memref<1x10240xf32, #tpu.memory_space<hbm>>
      %dma_start3A_69 = tpu.memref_squeeze %dma_start3A_68 : memref<1x10240xf32, #tpu.memory_space<hbm>> -> memref<10240xf32, #tpu.memory_space<hbm>>
      %dma_start3A_70 = tpu.memref_slice %dma_start3A_69[%mul3A_66] : memref<10240xf32, #tpu.memory_space<hbm>> -> memref<640xf32, #tpu.memory_space<hbm>>
      %dma_start3A_71 = tpu.memref_slice %arg7[%mul3A_64] : memref<10240xf32, #tpu.memory_space<vmem_shared>> -> memref<640xf32, #tpu.memory_space<vmem_shared>>
      tpu.enqueue_dma source(%dma_start3A_71 : memref<640xf32, #tpu.memory_space<vmem_shared>>) target(%dma_start3A_70 : memref<640xf32, #tpu.memory_space<hbm>>) target_semaphore(%run_scoped3A : memref<!tpu.dma_semaphore, #tpu.memory_space<semaphore_mem>>)
      %dma_wait3A_72 = arith.constant 0 : i32
      %dma_wait3A_73 = tpu.memref_slice %arg4[%arg0, %dma_wait3A_72] : memref<2x10240xf32, #tpu.memory_space<hbm>> -> memref<1x10240xf32, #tpu.memory_space<hbm>>
      %dma_wait3A_74 = tpu.memref_squeeze %dma_wait3A_73 : memref<1x10240xf32, #tpu.memory_space<hbm>> -> memref<10240xf32, #tpu.memory_space<hbm>>
      %dma_wait3A_75 = tpu.memref_slice %dma_wait3A_74[%mul3A_66] : memref<10240xf32, #tpu.memory_space<hbm>> -> memref<640xf32, #tpu.memory_space<hbm>>
      %dma_wait3A_76 = tpu.memref_slice %arg7[%mul3A_64] : memref<10240xf32, #tpu.memory_space<vmem_shared>> -> memref<640xf32, #tpu.memory_space<vmem_shared>>
      tpu.wait_dma2 semaphore(%run_scoped3A : memref<!tpu.dma_semaphore, #tpu.memory_space<semaphore_mem>>) src(%dma_wait3A_76 : memref<640xf32, #tpu.memory_space<vmem_shared>>) dst(%dma_wait3A_75 : memref<640xf32, #tpu.memory_space<hbm>>)
      tpu.yield
    }) : () -> ()
    return
  }
}

</mosaic_0001>

<sc_bundles>
// kernel: _deg_call.3.cloned.1.call-start
scs
__scs_entry_jumppad:
0x0: {  	(pc) =	sbr.rel $0x88, $3  }
0x1: {  	(tag) =	ssettag $0x0;
	lr =	simm.s32 $0x1  }
0x2: {  	[smem:$0x3F9F] =	sst lr;
	_ =	strace $0xD0000000  }
0x3: {  	_ = 	snop  }
0x4: {  	_ = 	snop  }
0x5: {  	_ = 	snop  }
0x6: {  	_ = 	snop  }
0x7: {  	_ = 	snop  }
__scs_overlays_trampoline_lowered:
0x8: {  	[smem:$0x3FAE] =	sst s0  }
0x9: {  	[smem:$0x3FAF] =	sst s1  }
0xa: {  	[smem:$0x3FB0] =	sst s2  }
0xb: {  	[smem:$0x3FB1] =	sst s3  }
0xc: {  	[smem:$0x3FB2] =	sst s4  }
0xd: {  	[smem:$0x3FB3] =	sst s5  }
0xe: {  	[smem:$0x3FB4] =	sst s6  }
0xf: {  	[smem:$0x3FB5] =	sst s7  }
0x10: {  	[smem:$0x3FB6] =	sst s8  }
0x11: {  	[smem:$0x3FB7] =	sst s9;
	s0 =	simm.s32 @!p0 $0x0  }
0x12: {  	s1 =	sld [smem:$0x3F9D];
	s0 =	simm.s32 @p0 $0x1  }
0x13: {  	[smem:$0x3FB8] =	sst s0;
	s0 =	simm.s32 @!p1 $0x0  }
0x14: {  	s2 =	sld [smem:$0x3F9C];
	s0 =	simm.s32 @p1 $0x1  }
0x15: {  	[smem:$0x3FB9] =	sst s0;
	s0 =	simm.s32 @!p2 $0x0  }
0x16: {  	s3 =	sld [smem:$0x3FDB];
	s0 =	simm.s32 @p2 $0x1  }
0x17: {  	s4 =	simm.s32 $0x1BF5;
	[smem:$0x3FBB] =	sst s0  }
0x18: {  	s0 =	sld [smem:$0x3F9E];
	_ =	swait.ge [sflag:s4], $0x0  }
0x19: {  	s7 =	sld [smem:$0x3F9F]  }
0x1a: {  	s8 =	sadd.s32 $0xFFFFE003, lr  }
0x1b: {  	s9 =	sadd.s32 $0xFFFFFEF7, lr;
	s5 =	simm.s32 $0xFFFFFFFF;
	p2 =	slt.u32 s8, $0xFFFFF086  }
0x1c: {  	p1 =	slt.u32 s9, $0xF7A;
	s5 =	simm.s32 @!p2 $0x0  }
0x1d: {  	s5 =	simm.s32 @p1 $0x1;
	p0 =	seq.s32 s7, s2  }
0x1e: {  	s7 =	smul.u32 @!p0 $0xF7A, s2;
	p2 =	seq.s32 @!p0 s5, $0x0  }
0x1f: {  	s9 =	smul.u32 $0xF7A, s1;
	s8 =	simm.s32 @!p0 $0x1BF5;
	p2 =	por !p2, p0  }
0x20: {  	[sflag:s8] =	ssyncset.s32 @!p0 $0xFFFFF086;
	s6 =	sadd.s32 @!p0 s3, s7;
	s7 =	simm.s32 @!p0 $0x108  }
0x21: {  	s3 =	sadd.s32 s3, s9;
	s6 =	sadd.s32 @!p0 $0x88, s6;
	s7 =	simm.s32 @p2 $0x1082  }
0x22: {  	[simem:s7], [sflag:s8] =	dma.local @!p0 [hbm:s6], $0xF7A  }
0x23: {  	s9 =	sor.u32 $0xD0000000, s2;
	s6 =	simm.s32 $0x108;
	_ =	swait.ge @!p0 [sflag:s8], $0x0  }
0x24: {  	s3 =	sadd.s32 $0x88, s3;
	s6 =	simm.s32 @!p1 $0x1082;
	[sflag:s4] =	ssyncset.s32 $0xFFFFF086  }
0x25: {  	[simem:s6], [sflag:s4] =	dma.local [hbm:s3], $0xF7A  }
0x26: {  	[smem:$0x3F9F] =	sst s1;
	(tag) =	ssettag s2;
	_ =	strace s9  }
0x27: {  	s1 =	sld [smem:$0x3FAF]  }
0x28: {  	s2 =	sld [smem:$0x3FB0]  }
0x29: {  	s4 =	sld [smem:$0x3FB2]  }
0x2a: {  	p0 =	seq.s32 s5, $0x0;
	s5 =	sld [smem:$0x3FB3]  }
0x2b: {  	s6 =	sld [smem:$0x3FB4]  }
0x2c: {  	s7 =	sld [smem:$0x3FB5]  }
0x2d: {  	s3 =	simm.s32 $0x108;
	s8 =	sld [smem:$0x3FB6]  }
0x2e: {  	s3 =	simm.s32 @!p0 $0x1082;
	s9 =	sld [smem:$0x3FB7]  }
0x2f: {  	lr =	sadd.s32 s0, s3;
	s0 =	sld [smem:$0x3FAE]  }
0x30: {  	s3 =	sld [smem:$0x3FB1]  }
0x31: {  	[smem:$0x3FBA] =	sst s10  }
0x32: {  	s10 =	sld [smem:$0x3FB8];
	_ =	sdelay $0x3  }
0x33: {  	p0 =	seq.s32 s10, $0x1;
	s10 =	sld [smem:$0x3FBA];
	_ =	sdelay $0x3  }
0x34: {  	[smem:$0x3FBA] =	sst s10  }
0x35: {  	s10 =	sld [smem:$0x3FB9];
	_ =	sdelay $0x3  }
0x36: {  	p1 =	seq.s32 s10, $0x1;
	s10 =	sld [smem:$0x3FBA];
	_ =	sdelay $0x3  }
0x37: {  	[smem:$0x3FBA] =	sst s10  }
0x38: {  	s10 =	sld [smem:$0x3FBB]  }
0x39: {  	_ = 	snop;
	(pc) =	sbr.ind lr, $3  }
0x3a: {  	_ = 	snop  }
0x3b: {  	_ = 	snop  }
0x3c: {  	p2 =	seq.s32 s10, $0x1;
	s10 =	sld [smem:$0x3FBA]  }
0x3d: {  	_ =	shalt  }
0x3e: {  	_ =	shalt  }
0x3f: {  	_ =	shalt  }
0x40: {  	_ =	shalt  }
0x41: {  	_ =	shalt  }
0x42: {  	_ =	shalt  }
0x43: {  	_ =	shalt  }
0x44: {  	_ =	shalt  }
0x45: {  	_ =	shalt  }
0x46: {  	_ =	shalt  }
0x47: {  	_ =	shalt  }
0x48: {  	_ =	shalt  }
0x49: {  	_ =	shalt  }
0x4a: {  	_ =	shalt  }
0x4b: {  	_ =	shalt  }
0x4c: {  	_ =	shalt  }
0x4d: {  	_ =	shalt  }
0x4e: {  	_ =	shalt  }
0x4f: {  	_ =	shalt  }
0x50: {  	_ =	shalt  }
0x51: {  	_ =	shalt  }
0x52: {  	_ =	shalt  }
0x53: {  	_ =	shalt  }
0x54: {  	_ =	shalt  }
0x55: {  	_ =	shalt  }
0x56: {  	_ =	shalt  }
0x57: {  	_ =	shalt  }
0x58: {  	_ =	shalt  }
0x59: {  	_ =	shalt  }
0x5a: {  	_ =	shalt  }
0x5b: {  	_ =	shalt  }
0x5c: {  	_ =	shalt  }
0x5d: {  	_ =	shalt  }
0x5e: {  	_ =	shalt  }
0x5f: {  	_ =	shalt  }
0x60: {  	_ =	shalt  }
0x61: {  	_ =	shalt  }
0x62: {  	_ =	shalt  }
0x63: {  	_ =	shalt  }
0x64: {  	_ =	shalt  }
0x65: {  	_ =	shalt  }
0x66: {  	_ =	shalt  }
0x67: {  	_ =	shalt  }
0x68: {  	_ =	shalt  }
0x69: {  	_ =	shalt  }
0x6a: {  	_ =	shalt  }
0x6b: {  	_ =	shalt  }
0x6c: {  	_ =	shalt  }
0x6d: {  	_ =	shalt  }
0x6e: {  	_ =	shalt  }
0x6f: {  	_ =	shalt  }
0x70: {  	_ =	shalt  }
0x71: {  	_ =	shalt  }
0x72: {  	_ =	shalt  }
0x73: {  	_ =	shalt  }
0x74: {  	_ =	shalt  }
0x75: {  	_ =	shalt  }
0x76: {  	_ =	shalt  }
0x77: {  	_ =	shalt  }
0x78: {  	_ =	shalt  }
0x79: {  	_ =	shalt  }
0x7a: {  	_ =	shalt  }
0x7b: {  	_ =	shalt  }
0x7c: {  	_ =	shalt  }
0x7d: {  	_ =	shalt  }
0x7e: {  	_ =	shalt  }
0x7f: {  	_ =	shalt  }
0x80: {  	_ =	shalt  }
0x81: {  	_ =	shalt  }
0x82: {  	_ =	shalt  }
0x83: {  	_ =	shalt  }
0x84: {  	_ =	shalt  }
0x85: {  	_ =	shalt  }
0x86: {  	_ =	shalt  }
0x87: {  	_ =	shalt  }
.Lfunc_end0:
.L_simem_size_0:
called_computation_lowered:
.L_overlay_start_0:
0x88: {  	s2 =	sld [smem:$0x3FD9]  }
0x89: {  	s3 =	sld [smem:$0x3FFE];
	_ =	sdelay $0x1  }
0x8a: {  	s1 =	srdreg.scid  }
0x8b: {  	s0 =	sand.u32 $0x1, s1  }
0x8c: {  	s17 =	sshll.u32 s0, $0xA;
	s2 =	sadd.s32 s3, s2  }
0x8d: {  	s2 =	sadd.s32 s2, s17  }
0x8e: {  	[smem:$0x3FC6] =	sst s2  }
0x8f: {  	_ = 	snop  }
0x90: {  	s2 =	sld [smem:$0x3FC8];
	(tm) =	ssettm $0x1  }
0x91: {  	s18 =	sld [smem:$0x3FFB];
	_ =	sdelay $0x3  }
0x92: {  	_ =	strace s18  }
0x93: {  	s3 =	sld [smem:$0x3FFC];
	_ =	sdelay $0x3  }
0x94: {  	_ =	strace s3  }
0x95: {  	s3 =	sld [smem:$0x3FFD];
	_ =	sdelay $0x3  }
0x96: {  	_ =	strace s3  }
0x97: {  	_ =	strace $0x8FFFFFFF  }
0x98: {  	s19 =	sld [smem:$0x3FDB];
	_ =	sdelay $0x1  }
0x99: {  	s4 =	simm.s32 $_scs_section_size  }
0x9a: {  	s5 =	simm.s32 $_size__tile_overlayer_lowered;
	s6 =	simm.s32 $_tile_overlayer_lowered  }
0x9b: {  	s22 =	simm.s32 $0x1BFF;
	s21 =	sshll.u32 s6, $0x1;
	s3 =	sadd.s32 s4, s19  }
0x9c: {  	s7 =	simm.s32 $0x0;
	s20 =	sshll.u32 s5, $0x1;
	s5 =	sadd.s32 s21, s3  }
0x9d: {  	[timem:s7], [sflag:s22] =	dma.local [hbm:s5], s20  }
0x9e: {  	_ =	swait.ge [sflag:s22], s20  }
0x9f: {  	s4 =	ssub.s32 $0x0, s20;
	[sflag:s22] =	ssyncset.done $0x0  }
0xa0: {  	[sflag:s22] =	ssyncadd.s32 s4;
	_ =	sdelay $0x1  }
0xa1: {  	s23 =	simm.s32 $0x1B8B  }
0xa2: {  	_ =	swait.ge [sflag:s23], $0x1  }
0xa3: {  	[sflag:s23] =	ssyncset.done $0x0  }
0xa4: {  	s25 =	simm.s32 $0x1B8E;
	s24 =	sld [smem:$0x3FFE];
	[sflag:s23] =	ssyncadd.s32 $0xFFFFFFFF  }
0xa5: {  	s26 =	simm.s32 $execute0_lowered;
	[smem:$0x3FD2] =	sst s25  }
0xa6: {  	s5 =	sshll.u32 s26, $0x1;
	_ =	strace $0x80000046;
	[dreg:$0x1] =	wrdreg $0xFFFFFFFF  }
0xa7: {  	s28 =	simm.s32 $_size_execute0_lowered;
	s3 =	sadd.s32 s3, s5;
	[dreg:$0x0] =	wrdreg $0x0  }
0xa8: {  	s5 =	sshll.u32 s28, $0x1;
	[dreg:$0x2] =	wrdreg s3  }
0xa9: {  	[dreg:$0x3] =	wrdreg s5  }
0xaa: {  	[dreg:$0x4] =	wrdreg $0xC0  }
0xab: {  	_ =	task [dreg:s7], $0x5FFFF  }
0xac: {  	[dreg:$0x1] =	wrdreg $0xFFFFFFFF  }
0xad: {  	[dreg:$0x0] =	wrdreg $0x60  }
0xae: {  	[dreg:$0x2] =	wrdreg s24  }
0xaf: {  	[dreg:$0x3] =	wrdreg s2  }
0xb0: {  	[dreg:$0x4] =	wrdreg $0x28800  }
0xb1: {  	[dreg:$0x5] =	wrdreg $0x9  }
0xb2: {  	_ =	task.clear_ibuf [dreg:s7], $0x6FFFF;
	_ =	strace $0x90000046  }
0xb3: {  	s29 =	simm.s32 $0x9;
	_ =	strace $0x80000048  }
0xb4: {  	_ =	swait.ge [sflag:s29], $0x1  }
0xb5: {  	[sflag:s29] =	ssyncadd.s32 $0xFFFFFFFF  }
0xb6: {  	_ =	strace $0x90000048  }
0xb7: {  	_ =	sfence  }
0xb8: {  	s30 =	sld [smem:$0x0];
	_ =	sdelay $0x2  }
0xb9: {  	s31 =	sshll.u32 s1, $0xD;
	s1 =	sshrl.u32 s1, $0x2  }
0xba: {  	s3 =	sand.u32 $0x4000, s31;
	s1 =	sadd.s32 s1, s30  }
0xbb: {  	s0 =	sor.u32 s3, s0;
	s1 =	sshll.u32 s1, $0x11  }
0xbc: {  	s0 =	sor.u32 s1, s0  }
0xbd: {  	s0 =	sadd.s32 $0x8F2B, s0  }
0xbe: {  	[sflag:s0] =	ssyncadd.remote.s32 $0x1  }
0xbf: {  	_ =	sfence.sel $0xFFFF  }
0xc0: {  	[dreg:$0x0] =	wrdreg $0xFFFFFFFF;
	(pc) =	sbr.abs _section_cstart, $3  }
0xc1: {  	[dreg:$0x1] =	wrdreg $0xFFFFFFFF  }
0xc2: {  	_ =	task.clear_ibuf [dreg:s7], $0x2FFFF;
	_ =	strace $0x9FFFFFFF  }
0xc3: {  	(tm) =	ssettm $0x7FFFFFFF  }
tec
execute0_lowered:
.L_overlay_start_1:
0x0: {  	(tag) =	ssettag $0x1  }
0x1: {  	s5 =	rddreg [dreg:$0x0]  }
0x2: {  	s2 =	rddreg [dreg:$0x1]  }
0x3: {  	s0 =	srdreg.scid;
	s3 =	rddreg [dreg:$0x2];
	s4 =	simm.s32 $0x0  }
0x4: {  	s12 =	simm.s32 $0x2800;
	s6 =	sand.u32 $0x1, s0;
	s0 =	stileid.u32  }
0x5: {  	s13 =	simm.s32 $0x2;
	[smem:$0x7FF] =	sst s4;
	s8 =	smul.u32 $0x500, s6  }
0x6: {  	s1 =	sshll.u32 s6, $0x4;
	s6 =	ssub.s32 $0x2, s6;
	s10 =	smul.u32 $0x280, s0  }
0x7: {  	s31 =	sshll.u32 s0, $0x6;
	s7 =	sor.u32 s0, s1;
	s1 =	rddreg [dreg:$0x3]  }
0x8: {  	_ =	strace $0x80000047;
	s9 =	sshrl.u32 s6, $0x1;
	s7 =	smul.u32 $0x500, s7  }
0x9: {  	s8 =	sadd.s32 s8, s5;
	s9 =	ssub.s32 s6, s9;
	s11 =	sadd.s32 s10, s3  }
0xa: {  	s6 =	sor.u32 $0x1C03, s31;
	s15 =	sshrl.u32 s10, $0x3;
	s10 =	simm.s32 $0x1  }
0xb: {  	s14 =	sadd.s32 $0xA400, s8;
	s8 =	sshrl.u32 s11, $0x3;
	s11 =	simm.s32 $0x7D  }
0xc: {  	s7 =	sadd.s32 s7, s5;
	s14 =	sadd.s32 s15, s14;
	s15 =	simm.s32 $0x0  }
0xd: {  	v0 =	vimm.f32 $1.000000000e+00;
	s5 =	sadd.s32 $0x400, s7;
	s7 =	smax.u32 s9, $0x1;
	s9 =	simm.s32 $0x3  }
.LBB2_1:
0xe: {  	[tilespmem:s4], [sflag:$0x1] =	stream.linear.gather [hbm4b:s5+s4], $0x2800, $0x38;
	[tilespmem:$0x2B00] =	vst v63  }
0xf: {  	[tilespmem:$0x2800] =	vst v0  }
0x10: {  	[tilespmem:$0x2810] =	vst v0  }
0x11: {  	[tilespmem:$0x2820] =	vst v0  }
0x12: {  	[tilespmem:$0x2830] =	vst v0  }
0x13: {  	[tilespmem:$0x2840] =	vst v0  }
0x14: {  	[tilespmem:$0x2850] =	vst v0  }
0x15: {  	[tilespmem:$0x2860] =	vst v0  }
0x16: {  	[tilespmem:$0x2870] =	vst v0  }
0x17: {  	[spmem:s8], [sflag:s6] =	dma.local [hbm:s2], $0x50  }
0x18: {  	_ =	swait.ge [sflag:s9], $0x50  }
0x19: {  	[sflag:s9] =	ssyncset.done $0x0  }
0x1a: {  	[sflag:s9] =	ssyncadd.s32 $0xFFFFFFB0  }
0x1b: {  	_ =	swait.ge [sflag:s10], $0x2800  }
0x1c: {  	[sflag:s10] =	ssyncset.done $0x0  }
0x1d: {  	[sflag:s10] =	ssyncadd.s32 $0xFFFFD800  }
0x1e: {  	s16 =	simm.s32 $0x0;
	[bflag:$0x0] =	sbarrier.arrive $0xFFFF  }
0x1f: {  	[spmem:s3] =	stream.indirect.scatter.add.f32 [tilespmem:s12], [sflag:$0x2], $0x1, s16, s11, $0xb8;
	[tilespmem:$0x2B00] =	vst v63  }
0x20: {  	s24 =	simm.s32 $0x80  }
0x21: {  	[spmem:s3] =	stream.indirect.scatter.add.f32 [tilespmem:s12], [sflag:$0x2], $0x1, s24, s11, $0xb8;
	[tilespmem:$0x2B00] =	vst v63  }
0x22: {  	s25 =	simm.s32 $0x100  }
0x23: {  	[spmem:s3] =	stream.indirect.scatter.add.f32 [tilespmem:s12], [sflag:$0x2], $0x1, s25, s11, $0xb8;
	[tilespmem:$0x2B00] =	vst v63  }
0x24: {  	s26 =	simm.s32 $0x180  }
0x25: {  	[spmem:s3] =	stream.indirect.scatter.add.f32 [tilespmem:s12], [sflag:$0x2], $0x1, s26, s11, $0xb8;
	[tilespmem:$0x2B00] =	vst v63  }
0x26: {  	s28 =	simm.s32 $0x200  }
0x27: {  	[spmem:s3] =	stream.indirect.scatter.add.f32 [tilespmem:s12], [sflag:$0x2], $0x1, s28, s11, $0xb8;
	[tilespmem:$0x2B00] =	vst v63  }
0x28: {  	s29 =	simm.s32 $0x280  }
0x29: {  	[spmem:s3] =	stream.indirect.scatter.add.f32 [tilespmem:s12], [sflag:$0x2], $0x1, s29, s11, $0xb8;
	[tilespmem:$0x2B00] =	vst v63  }
0x2a: {  	s30 =	simm.s32 $0x300  }
0x2b: {  	[spmem:s3] =	stream.indirect.scatter.add.f32 [tilespmem:s12], [sflag:$0x2], $0x1, s30, s11, $0xb8;
	[tilespmem:$0x2B00] =	vst v63  }
0x2c: {  	s31 =	simm.s32 $0x380  }
0x2d: {  	[spmem:s3] =	stream.indirect.scatter.add.f32 [tilespmem:s12], [sflag:$0x2], $0x1, s31, s11, $0xb8;
	[tilespmem:$0x2B00] =	vst v63  }
0x2e: {  	_ =	swait.ge [sflag:s13], $0x7D  }
0x2f: {  	[sflag:s13] =	ssyncset.done $0x0  }
0x30: {  	[sflag:s13] =	ssyncadd.s32 $0xFFFFFF83  }
0x31: {  	_ =	swait.ge [sflag:s13], $0x7D  }
0x32: {  	[sflag:s13] =	ssyncset.done $0x0  }
0x33: {  	[sflag:s13] =	ssyncadd.s32 $0xFFFFFF83  }
0x34: {  	_ =	swait.ge [sflag:s13], $0x7D  }
0x35: {  	[sflag:s13] =	ssyncset.done $0x0  }
0x36: {  	[sflag:s13] =	ssyncadd.s32 $0xFFFFFF83  }
0x37: {  	_ =	swait.ge [sflag:s13], $0x7D  }
0x38: {  	[sflag:s13] =	ssyncset.done $0x0  }
0x39: {  	[sflag:s13] =	ssyncadd.s32 $0xFFFFFF83  }
0x3a: {  	_ =	swait.ge [sflag:s13], $0x7D  }
0x3b: {  	[sflag:s13] =	ssyncset.done $0x0  }
0x3c: {  	[sflag:s13] =	ssyncadd.s32 $0xFFFFFF83  }
0x3d: {  	_ =	swait.ge [sflag:s13], $0x7D  }
0x3e: {  	[sflag:s13] =	ssyncset.done $0x0  }
0x3f: {  	[sflag:s13] =	ssyncadd.s32 $0xFFFFFF83  }
0x40: {  	_ =	swait.ge [sflag:s13], $0x7D  }
0x41: {  	[sflag:s13] =	ssyncset.done $0x0  }
0x42: {  	[sflag:s13] =	ssyncadd.s32 $0xFFFFFF83  }
0x43: {  	_ =	swait.ge [sflag:s13], $0x7D  }
0x44: {  	s18 =	simm.s32 $0x2000;
	s16 =	simm.s32 $0x1000;
	[sflag:s13] =	ssyncset.done $0x0  }
.LBB2_2:
0x45: {  	s19 =	sshra.s32 s16, $0x2  }
0x46: {  	[sflag:s13] =	ssyncadd.s32 $0xFFFFFF83;
	s16 =	smov.u32 s18;
	s17 =	sadd.s32 $0x1000, s18  }
0x47: {  	[spmem:s3] =	stream.indirect.scatter.add.f32 [tilespmem:s12], [sflag:$0x2], $0x1, s19, s11, $0xb8;
	[tilespmem:$0x2B00] =	vst v63  }
0x48: {  	p0 =	sne.s32 s18, $0x9000;
	s18 =	sadd.s32 $0x80, s19  }
0x49: {  	[spmem:s3] =	stream.indirect.scatter.add.f32 [tilespmem:s12], [sflag:$0x2], $0x1, s18, s11, $0xb8;
	[tilespmem:$0x2B00] =	vst v63  }
0x4a: {  	s18 =	sadd.s32 $0x100, s19  }
0x4b: {  	[spmem:s3] =	stream.indirect.scatter.add.f32 [tilespmem:s12], [sflag:$0x2], $0x1, s18, s11, $0xb8;
	[tilespmem:$0x2B00] =	vst v63  }
0x4c: {  	s18 =	sadd.s32 $0x180, s19  }
0x4d: {  	[spmem:s3] =	stream.indirect.scatter.add.f32 [tilespmem:s12], [sflag:$0x2], $0x1, s18, s11, $0xb8;
	[tilespmem:$0x2B00] =	vst v63  }
0x4e: {  	s18 =	sadd.s32 $0x200, s19  }
0x4f: {  	[spmem:s3] =	stream.indirect.scatter.add.f32 [tilespmem:s12], [sflag:$0x2], $0x1, s18, s11, $0xb8;
	[tilespmem:$0x2B00] =	vst v63  }
0x50: {  	s18 =	sadd.s32 $0x280, s19  }
0x51: {  	[spmem:s3] =	stream.indirect.scatter.add.f32 [tilespmem:s12], [sflag:$0x2], $0x1, s18, s11, $0xb8;
	[tilespmem:$0x2B00] =	vst v63  }
0x52: {  	s18 =	sadd.s32 $0x300, s19  }
0x53: {  	[spmem:s3] =	stream.indirect.scatter.add.f32 [tilespmem:s12], [sflag:$0x2], $0x1, s18, s11, $0xb8;
	[tilespmem:$0x2B00] =	vst v63  }
0x54: {  	s18 =	sadd.s32 $0x380, s19  }
0x55: {  	[spmem:s3] =	stream.indirect.scatter.add.f32 [tilespmem:s12], [sflag:$0x2], $0x1, s18, s11, $0xb8;
	[tilespmem:$0x2B00] =	vst v63  }
0x56: {  	_ =	swait.ge [sflag:s13], $0x7D  }
0x57: {  	[sflag:s13] =	ssyncset.done $0x0  }
0x58: {  	[sflag:s13] =	ssyncadd.s32 $0xFFFFFF83  }
0x59: {  	_ =	swait.ge [sflag:s13], $0x7D  }
0x5a: {  	[sflag:s13] =	ssyncset.done $0x0  }
0x5b: {  	[sflag:s13] =	ssyncadd.s32 $0xFFFFFF83  }
0x5c: {  	_ =	swait.ge [sflag:s13], $0x7D  }
0x5d: {  	[sflag:s13] =	ssyncset.done $0x0  }
0x5e: {  	[sflag:s13] =	ssyncadd.s32 $0xFFFFFF83  }
0x5f: {  	_ =	swait.ge [sflag:s13], $0x7D  }
0x60: {  	[sflag:s13] =	ssyncset.done $0x0  }
0x61: {  	[sflag:s13] =	ssyncadd.s32 $0xFFFFFF83  }
0x62: {  	_ =	swait.ge [sflag:s13], $0x7D  }
0x63: {  	[sflag:s13] =	ssyncset.done $0x0  }
0x64: {  	[sflag:s13] =	ssyncadd.s32 $0xFFFFFF83  }
0x65: {  	_ =	swait.ge [sflag:s13], $0x7D  }
0x66: {  	[sflag:s13] =	ssyncset.done $0x0  }
0x67: {  	[sflag:s13] =	ssyncadd.s32 $0xFFFFFF83  }
.Ltmp0:
0x68: {  	_ =	swait.ge [sflag:s13], $0x7D;
	(pc) =	sbr.rel @p0 .LBB2_2-.Ltmp0, $4  }
0x69: {  	[sflag:s13] =	ssyncset.done $0x0  }
0x6a: {  	[sflag:s13] =	ssyncadd.s32 $0xFFFFFF83  }
0x6b: {  	_ =	swait.ge [sflag:s13], $0x7D  }
0x6c: {  	s18 =	smov.u32 s17;
	[sflag:s13] =	ssyncset.done $0x0  }
0x6d: {  	s16 =	sshra.s32 s16, $0x2;
	[sflag:s13] =	ssyncadd.s32 $0xFFFFFF83  }
0x6e: {  	[spmem:s3] =	stream.indirect.scatter.add.f32 [tilespmem:s12], [sflag:$0x2], $0x1, s16, s11, $0xb8;
	[tilespmem:$0x2B00] =	vst v63  }
0x6f: {  	s17 =	sadd.s32 $0x80, s16  }
0x70: {  	[spmem:s3] =	stream.indirect.scatter.add.f32 [tilespmem:s12], [sflag:$0x2], $0x1, s17, s11, $0xb8;
	[tilespmem:$0x2B00] =	vst v63  }
0x71: {  	s26 =	sadd.s32 $0x100, s16  }
0x72: {  	[spmem:s3] =	stream.indirect.scatter.add.f32 [tilespmem:s12], [sflag:$0x2], $0x1, s26, s11, $0xb8;
	[tilespmem:$0x2B00] =	vst v63  }
0x73: {  	s28 =	sadd.s32 $0x180, s16  }
0x74: {  	[spmem:s3] =	stream.indirect.scatter.add.f32 [tilespmem:s12], [sflag:$0x2], $0x1, s28, s11, $0xb8;
	[tilespmem:$0x2B00] =	vst v63  }
0x75: {  	s29 =	sadd.s32 $0x200, s16  }
0x76: {  	[spmem:s3] =	stream.indirect.scatter.add.f32 [tilespmem:s12], [sflag:$0x2], $0x1, s29, s11, $0xb8;
	[tilespmem:$0x2B00] =	vst v63  }
0x77: {  	s30 =	sadd.s32 $0x280, s16  }
0x78: {  	[spmem:s3] =	stream.indirect.scatter.add.f32 [tilespmem:s12], [sflag:$0x2], $0x1, s30, s11, $0xb8;
	[tilespmem:$0x2B00] =	vst v63  }
0x79: {  	s31 =	sadd.s32 $0x300, s16  }
0x7a: {  	[spmem:s3] =	stream.indirect.scatter.add.f32 [tilespmem:s12], [sflag:$0x2], $0x1, s31, s11, $0xb8;
	[tilespmem:$0x2B00] =	vst v63  }
0x7b: {  	s16 =	sadd.s32 $0x380, s16  }
0x7c: {  	[spmem:s3] =	stream.indirect.scatter.add.f32 [tilespmem:s12], [sflag:$0x2], $0x1, s16, s11, $0xb8;
	[tilespmem:$0x2B00] =	vst v63  }
0x7d: {  	_ =	swait.ge [sflag:s13], $0x7D  }
0x7e: {  	[sflag:s13] =	ssyncset.done $0x0  }
0x7f: {  	[sflag:s13] =	ssyncadd.s32 $0xFFFFFF83  }
0x80: {  	_ =	swait.ge [sflag:s13], $0x7D  }
0x81: {  	[sflag:s13] =	ssyncset.done $0x0  }
0x82: {  	[sflag:s13] =	ssyncadd.s32 $0xFFFFFF83  }
0x83: {  	_ =	swait.ge [sflag:s13], $0x7D  }
0x84: {  	[sflag:s13] =	ssyncset.done $0x0  }
0x85: {  	[sflag:s13] =	ssyncadd.s32 $0xFFFFFF83  }
0x86: {  	_ =	swait.ge [sflag:s13], $0x7D  }
0x87: {  	[sflag:s13] =	ssyncset.done $0x0  }
0x88: {  	[sflag:s13] =	ssyncadd.s32 $0xFFFFFF83  }
0x89: {  	_ =	swait.ge [sflag:s13], $0x7D  }
0x8a: {  	[sflag:s13] =	ssyncset.done $0x0  }
0x8b: {  	[sflag:s13] =	ssyncadd.s32 $0xFFFFFF83  }
0x8c: {  	_ =	swait.ge [sflag:s13], $0x7D  }
0x8d: {  	[sflag:s13] =	ssyncset.done $0x0  }
0x8e: {  	[sflag:s13] =	ssyncadd.s32 $0xFFFFFF83  }
0x8f: {  	_ =	swait.ge [sflag:s13], $0x7D  }
0x90: {  	[sflag:s13] =	ssyncset.done $0x0  }
0x91: {  	[sflag:s13] =	ssyncadd.s32 $0xFFFFFF83  }
0x92: {  	_ =	swait.ge [sflag:s13], $0x7D  }
0x93: {  	s15 =	sadd.s32 $0x1, s15;
	[sflag:s13] =	ssyncset.done $0x0  }
0x94: {  	p0 =	sne.s32 s15, s7;
	[sflag:s13] =	ssyncadd.s32 $0xFFFFFF83  }
.Ltmp1:
0x95: {  	[bflag:$0x0] =	sbarrier.arrive $0xFFFF;
	(pc) =	sbr.rel @p0 .LBB2_1-.Ltmp1, $4  }
0x96: {  	[hbm:s14], [sflag:s6] =	dma.local [spmem:s8], $0x50  }
0x97: {  	_ =	swait.ge [sflag:s9], $0x50  }
0x98: {  	[sflag:s9] =	ssyncset.done $0x0  }
0x99: {  	[sflag:s9] =	ssyncadd.s32 $0xFFFFFFB0  }
0x9a: {  	_ =	sfence.sel $0x180000  }
0x9b: {  	[bflag:$0x0] =	sbarrier.arrive $0xFFFF  }
0x9c: {  	p0 =	sne.s32 s0, $0x0;
	_ =	strace $0x90000047  }
0x9d: {  	s0 =	sadd.s32 @!p0 $0x100000, s1;
	[bflag:$0x2] =	sbarrier.arrive $0xFFFF  }
0x9e: {  	[sflag:s0] =	ssyncadd.tile.s32 @!p0 $0x1;
	_ =	shalt  }
.Lfunc_end2:
_tile_overlayer_lowered:
.L_overlay_start_2:
0x9f: {  	(tag) =	ssettag $0x2  }
0xa0: {  	s0 =	rddreg [dreg:$0x0];
	s2 =	stileid.u32  }
0xa1: {  	s1 =	rddreg [dreg:$0x1];
	p0 =	sne.s32 s2, $0x0  }
0xa2: {  	s3 =	rddreg [dreg:$0x2];
	[bflag:$0x3] =	sbarrier.arrive $0xFFFF;
	s2 =	simm.s32 @!p0 $0x1C03  }
0xa3: {  	[timem:s3], [sflag:s2] =	dma.local @!p0 [hbm:s0], s1  }
0xa4: {  	s0 =	simm.s32 @!p0 $0x3  }
0xa5: {  	_ =	swait.ge @!p0 [sflag:s0], s1  }
0xa6: {  	s1 =	ssub.s32 @!p0 $0x0, s1;
	[sflag:s0] =	ssyncset.done @!p0 $0x0  }
0xa7: {  	[sflag:s0] =	ssyncadd.s32 @!p0 s1  }
0xa8: {  	[bflag:$0x3] =	sbarrier.arrive $0xFFFF  }
0xa9: {  	_ =	shalt  }

</sc_bundles>
